<compile_context>
chip_gen: v7x
topology: tpu7x:2x2x1
jax: 0.10.2.dev20260603
libtpu: 0.0.44.dev20260713+nightly
codegen_flags: <defaults>
</compile_context>

<pallas_src>
import functools

import jax
import jax.numpy as jnp
from jax import lax
from jax.experimental import pallas as pl
from jax.experimental.pallas import tpu as pltpu
from jax.experimental.pallas import tpu_sc as plsc

L1, L2, ORBIT, DIM = 6, 4, 1, 2
NSITES = L1 * L2 * ORBIT
BATCH = 16384

NUM_CORES = 2
NUM_SUBCORES = 16
NUM_WORKERS = NUM_CORES * NUM_SUBCORES
LANES = 16
BW = BATCH // NUM_WORKERS
NCHUNK = BW // LANES
NSTREAM = BW // 128


def _sc_kernel(xt_hbm, wave_hbm, out_hbm, xv, idxv, outv, sem):
    wid = lax.axis_index("s") * NUM_CORES + lax.axis_index("c")

    pltpu.sync_copy(xt_hbm.at[:, pl.ds(wid * BW, BW)], xv)

    @plsc.parallel_loop(0, NCHUNK, unroll=2)
    def chunk(c):
        off = c * LANES
        acc = xv[0, pl.ds(off, LANES)]
        for i in range(1, NSITES):
            acc = acc + acc + xv[i, pl.ds(off, LANES)]
        idxv[pl.ds(off, LANES)] = acc

    copies = [
        pltpu.async_copy(
            wave_hbm.at[idxv.at[pl.ds(j * 128, 128)]], outv.at[j], sem
        )
        for j in range(NSTREAM)
    ]
    for c in copies:
        c.wait()

    pltpu.sync_copy(outv, out_hbm.at[pl.ds(wid * NSTREAM, NSTREAM)])


@jax.jit
def _run(x, wave):
    xt = jnp.transpose(x, (1, 2, 3, 0)).reshape(NSITES, BATCH)

    mesh = plsc.VectorSubcoreMesh(core_axis_name="c", subcore_axis_name="s")
    grid = functools.partial(
        pl.kernel,
        out_type=jax.ShapeDtypeStruct((BATCH // 128, 128), jnp.float32),
        mesh=mesh,
        scratch_types=[
            pltpu.VMEM((NSITES, BW), jnp.int32),
            pltpu.VMEM((BW,), jnp.int32),
            pltpu.VMEM((NSTREAM, 128), jnp.float32),
            pltpu.SemaphoreType.DMA,
        ],
        compiler_params=pltpu.CompilerParams(use_tc_tiling_on_sc=False),
    )
    return grid(_sc_kernel)(xt, wave)


def kernel(x, wave):
    return _run(x.astype(jnp.int32), wave).reshape(x.shape[:-3])

# --- scband reference (transcript-rebuilt; emitter-appended) ---
"""Pipeline reference for scband-real-wave-function-47321949667597 (READ-ONLY COPY).

The authoritative reference and input builder live on the scoring server;
editing this copy changes nothing except your own understanding.
"""

import jax, jax.numpy as jnp
import numpy as np

L1, L2, ORBIT, DIM = 6, 4, 1, 2
NSITES = L1 * L2 * ORBIT  # 24
TABLE_SIZE = DIM ** NSITES  # 2**24 = 16777216
BATCH = 16384


def setup_inputs(seed: int = 0) -> dict:
    key = jax.random.key(seed)
    k1, k2 = jax.random.split(key)
    # spin/occupation configuration per site, values in [0, DIM)
    x = jax.random.randint(k1, (BATCH, L1, L2, ORBIT), 0, DIM, dtype=jnp.int32)
    # learned wave-function amplitude table (flattened view of the dense parameter)
    wave = jax.random.normal(k2, (TABLE_SIZE,), dtype=jnp.float32)
    return {"x": x, "wave": wave}


def reference(x, wave):
    # flatten(start_dim=-3): merge last three dims (L1, L2, orbit)
    xf = x.reshape(x.shape[:-3] + (NSITES,))
    # contiguous strides of a tensor with shape [DIM]*NSITES: stride[i] = DIM**(NSITES-1-i)
    stride = (DIM ** jnp.arange(NSITES - 1, -1, -1, dtype=jnp.int32)).astype(xf.dtype)
    index = (xf * stride).sum(axis=-1)
    # gather amplitudes from the flat wave table
    result = jnp.take(wave, index, axis=0)
    return result

if __name__ == "__main__":
    import jax
    _d = setup_inputs()
    print(jax.jit(kernel)(*tuple(_d.values())))

</pallas_src>

<mosaic_0001>
#map = affine_map<(d0, d1) -> (0, 0)>
#map1 = affine_map<(d0, d1) -> (0)>
module attributes {stable_mosaic.version = 14 : i64} {
  func.func @_sc_kernel(%arg0: i32, %arg1: i32, %arg2: memref<24x16384xi32, #tpu.memory_space<hbm>>, %arg3: memref<16777216xf32, #tpu.memory_space<hbm>>, %arg4: memref<128x128xf32, #tpu.memory_space<hbm>>, %arg5: memref<24x512xi32, #tpu.memory_space<vmem>>, %arg6: memref<512xi32, #tpu.memory_space<vmem>>, %arg7: memref<4x128xf32, #tpu.memory_space<vmem>>, %arg8: memref<!tpu.dma_semaphore, #tpu.memory_space<semaphore_mem>>) attributes {dimension_semantics = [#tpu.dimension_semantics<core_parallel>, #tpu.dimension_semantics<subcore_parallel>], iteration_bounds = array<i64: 2, 16>, scalar_prefetch = 0 : i64, scratch_operands = 4 : i64, tpu.core_type = #tpu.core_type<sc_vector_subcore>, window_params = [{transform_indices = #map}, {transform_indices = #map1}, {transform_indices = #map}]} {
    %mul3A = arith.constant 2 : i32
    %mul3A_0 = arith.muli %arg1, %mul3A : i32
    %add3A = arith.addi %mul3A_0, %arg0 : i32
    %mul3A_1 = arith.constant 512 : i32
    %mul3A_2 = arith.muli %add3A, %mul3A_1 : i32
    "tpu.region"() ({
      %run_scoped3A = tpu.sem_alloc : memref<!tpu.dma_semaphore, #tpu.memory_space<semaphore_mem>>
      %dma_start3A_69 = arith.constant 0 : i32
      %dma_start3A_70 = tpu.memref_slice %arg2[%dma_start3A_69, %mul3A_2] : memref<24x16384xi32, #tpu.memory_space<hbm>> -> memref<24x512xi32, #tpu.memory_space<hbm>>
      %dma_start3A_71 = arith.constant 0 : i32
      %dma_start3A_72 = tpu.memref_slice %arg2[%dma_start3A_71, %mul3A_2] : memref<24x16384xi32, #tpu.memory_space<hbm>> -> memref<24x512xi32, #tpu.memory_space<hbm>>
      tpu.enqueue_dma source(%dma_start3A_72 : memref<24x512xi32, #tpu.memory_space<hbm>>) target(%arg5 : memref<24x512xi32, #tpu.memory_space<vmem>>) target_semaphore(%run_scoped3A : memref<!tpu.dma_semaphore, #tpu.memory_space<semaphore_mem>>)
      %dma_wait3A_73 = arith.constant 0 : i32
      %dma_wait3A_74 = tpu.memref_slice %arg2[%dma_wait3A_73, %mul3A_2] : memref<24x16384xi32, #tpu.memory_space<hbm>> -> memref<24x512xi32, #tpu.memory_space<hbm>>
      %dma_wait3A_75 = arith.constant 0 : i32
      %dma_wait3A_76 = tpu.memref_slice %arg2[%dma_wait3A_75, %mul3A_2] : memref<24x16384xi32, #tpu.memory_space<hbm>> -> memref<24x512xi32, #tpu.memory_space<hbm>>
      tpu.wait_dma2 semaphore(%run_scoped3A : memref<!tpu.dma_semaphore, #tpu.memory_space<semaphore_mem>>) src(%dma_wait3A_76 : memref<24x512xi32, #tpu.memory_space<hbm>>) dst(%arg5 : memref<24x512xi32, #tpu.memory_space<vmem>>)
      tpu.yield
    }) : () -> ()
    %parallel_loop3A = arith.constant 0 : i32
    %parallel_loop3A_3 = arith.constant 32 : i32
    %parallel_loop3A_4 = arith.constant 1 : i32
    scf.for %parallel_loop3A_69 = %parallel_loop3A to %parallel_loop3A_3 step %parallel_loop3A_4  : i32 {
      %parallel_loop3A_70 = arith.constant 16 : i32
      %parallel_loop3A_71 = arith.muli %parallel_loop3A_69, %parallel_loop3A_70 : i32
      %parallel_loop3A_72 = arith.constant 0 : i32
      %parallel_loop3A_73 = arith.index_cast %parallel_loop3A_72 : i32 to index
      %parallel_loop3A_74 = arith.index_cast %parallel_loop3A_71 : i32 to index
      %parallel_loop3A_75 = tpu.vector_load %arg5[%parallel_loop3A_73, %parallel_loop3A_74] {strides = array<i32>} : memref<24x512xi32, #tpu.memory_space<vmem>>, vector<1x16xi32>,
      %parallel_loop3A_76 = vector.shape_cast %parallel_loop3A_75 : vector<1x16xi32> to vector<16xi32>
      %parallel_loop3A_77 = arith.addi %parallel_loop3A_76, %parallel_loop3A_76 : vector<16xi32>
      %parallel_loop3A_78 = arith.constant 1 : i32
      %parallel_loop3A_79 = arith.index_cast %parallel_loop3A_78 : i32 to index
      %parallel_loop3A_80 = arith.index_cast %parallel_loop3A_71 : i32 to index
      %parallel_loop3A_81 = tpu.vector_load %arg5[%parallel_loop3A_79, %parallel_loop3A_80] {strides = array<i32>} : memref<24x512xi32, #tpu.memory_space<vmem>>, vector<1x16xi32>,
      %parallel_loop3A_82 = vector.shape_cast %parallel_loop3A_81 : vector<1x16xi32> to vector<16xi32>
      %parallel_loop3A_83 = arith.addi %parallel_loop3A_77, %parallel_loop3A_82 : vector<16xi32>
      %parallel_loop3A_84 = arith.addi %parallel_loop3A_83, %parallel_loop3A_83 : vector<16xi32>
      %parallel_loop3A_85 = arith.constant 2 : i32
      %parallel_loop3A_86 = arith.index_cast %parallel_loop3A_85 : i32 to index
      %parallel_loop3A_87 = arith.index_cast %parallel_loop3A_71 : i32 to index
      %parallel_loop3A_88 = tpu.vector_load %arg5[%parallel_loop3A_86, %parallel_loop3A_87] {strides = array<i32>} : memref<24x512xi32, #tpu.memory_space<vmem>>, vector<1x16xi32>,
      %parallel_loop3A_89 = vector.shape_cast %parallel_loop3A_88 : vector<1x16xi32> to vector<16xi32>
      %parallel_loop3A_90 = arith.addi %parallel_loop3A_84, %parallel_loop3A_89 : vector<16xi32>
      %parallel_loop3A_91 = arith.addi %parallel_loop3A_90, %parallel_loop3A_90 : vector<16xi32>
      %parallel_loop3A_92 = arith.constant 3 : i32
      %parallel_loop3A_93 = arith.index_cast %parallel_loop3A_92 : i32 to index
      %parallel_loop3A_94 = arith.index_cast %parallel_loop3A_71 : i32 to index
      %parallel_loop3A_95 = tpu.vector_load %arg5[%parallel_loop3A_93, %parallel_loop3A_94] {strides = array<i32>} : memref<24x512xi32, #tpu.memory_space<vmem>>, vector<1x16xi32>,
      %parallel_loop3A_96 = vector.shape_cast %parallel_loop3A_95 : vector<1x16xi32> to vector<16xi32>
      %parallel_loop3A_97 = arith.addi %parallel_loop3A_91, %parallel_loop3A_96 : vector<16xi32>
      %parallel_loop3A_98 = arith.addi %parallel_loop3A_97, %parallel_loop3A_97 : vector<16xi32>
      %parallel_loop3A_99 = arith.constant 4 : i32
      %parallel_loop3A_100 = arith.index_cast %parallel_loop3A_99 : i32 to index
      %parallel_loop3A_101 = arith.index_cast %parallel_loop3A_71 : i32 to index
      %parallel_loop3A_102 = tpu.vector_load %arg5[%parallel_loop3A_100, %parallel_loop3A_101] {strides = array<i32>} : memref<24x512xi32, #tpu.memory_space<vmem>>, vector<1x16xi32>,
      %parallel_loop3A_103 = vector.shape_cast %parallel_loop3A_102 : vector<1x16xi32> to vector<16xi32>
      %parallel_loop3A_104 = arith.addi %parallel_loop3A_98, %parallel_loop3A_103 : vector<16xi32>
      %parallel_loop3A_105 = arith.addi %parallel_loop3A_104, %parallel_loop3A_104 : vector<16xi32>
      %parallel_loop3A_106 = arith.constant 5 : i32
      %parallel_loop3A_107 = arith.index_cast %parallel_loop3A_106 : i32 to index
      %parallel_loop3A_108 = arith.index_cast %parallel_loop3A_71 : i32 to index
      %parallel_loop3A_109 = tpu.vector_load %arg5[%parallel_loop3A_107, %parallel_loop3A_108] {strides = array<i32>} : memref<24x512xi32, #tpu.memory_space<vmem>>, vector<1x16xi32>,
      %parallel_loop3A_110 = vector.shape_cast %parallel_loop3A_109 : vector<1x16xi32> to vector<16xi32>
      %parallel_loop3A_111 = arith.addi %parallel_loop3A_105, %parallel_loop3A_110 : vector<16xi32>
      %parallel_loop3A_112 = arith.addi %parallel_loop3A_111, %parallel_loop3A_111 : vector<16xi32>
      %parallel_loop3A_113 = arith.constant 6 : i32
      %parallel_loop3A_114 = arith.index_cast %parallel_loop3A_113 : i32 to index
      %parallel_loop3A_115 = arith.index_cast %parallel_loop3A_71 : i32 to index
      %parallel_loop3A_116 = tpu.vector_load %arg5[%parallel_loop3A_114, %parallel_loop3A_115] {strides = array<i32>} : memref<24x512xi32, #tpu.memory_space<vmem>>, vector<1x16xi32>,
      %parallel_loop3A_117 = vector.shape_cast %parallel_loop3A_116 : vector<1x16xi32> to vector<16xi32>
      %parallel_loop3A_118 = arith.addi %parallel_loop3A_112, %parallel_loop3A_117 : vector<16xi32>
      %parallel_loop3A_119 = arith.addi %parallel_loop3A_118, %parallel_loop3A_118 : vector<16xi32>
      %parallel_loop3A_120 = arith.constant 7 : i32
      %parallel_loop3A_121 = arith.index_cast %parallel_loop3A_120 : i32 to index
      %parallel_loop3A_122 = arith.index_cast %parallel_loop3A_71 : i32 to index
      %parallel_loop3A_123 = tpu.vector_load %arg5[%parallel_loop3A_121, %parallel_loop3A_122] {strides = array<i32>} : memref<24x512xi32, #tpu.memory_space<vmem>>, vector<1x16xi32>,
      %parallel_loop3A_124 = vector.shape_cast %parallel_loop3A_123 : vector<1x16xi32> to vector<16xi32>
      %parallel_loop3A_125 = arith.addi %parallel_loop3A_119, %parallel_loop3A_124 : vector<16xi32>
      %parallel_loop3A_126 = arith.addi %parallel_loop3A_125, %parallel_loop3A_125 : vector<16xi32>
      %parallel_loop3A_127 = arith.constant 8 : i32
      %parallel_loop3A_128 = arith.index_cast %parallel_loop3A_127 : i32 to index
      %parallel_loop3A_129 = arith.index_cast %parallel_loop3A_71 : i32 to index
      %parallel_loop3A_130 = tpu.vector_load %arg5[%parallel_loop3A_128, %parallel_loop3A_129] {strides = array<i32>} : memref<24x512xi32, #tpu.memory_space<vmem>>, vector<1x16xi32>,
      %parallel_loop3A_131 = vector.shape_cast %parallel_loop3A_130 : vector<1x16xi32> to vector<16xi32>
      %parallel_loop3A_132 = arith.addi %parallel_loop3A_126, %parallel_loop3A_131 : vector<16xi32>
      %parallel_loop3A_133 = arith.addi %parallel_loop3A_132, %parallel_loop3A_132 : vector<16xi32>
      %parallel_loop3A_134 = arith.constant 9 : i32
      %parallel_loop3A_135 = arith.index_cast %parallel_loop3A_134 : i32 to index
      %parallel_loop3A_136 = arith.index_cast %parallel_loop3A_71 : i32 to index
      %parallel_loop3A_137 = tpu.vector_load %arg5[%parallel_loop3A_135, %parallel_loop3A_136] {strides = array<i32>} : memref<24x512xi32, #tpu.memory_space<vmem>>, vector<1x16xi32>,
      %parallel_loop3A_138 = vector.shape_cast %parallel_loop3A_137 : vector<1x16xi32> to vector<16xi32>
      %parallel_loop3A_139 = arith.addi %parallel_loop3A_133, %parallel_loop3A_138 : vector<16xi32>
      %parallel_loop3A_140 = arith.addi %parallel_loop3A_139, %parallel_loop3A_139 : vector<16xi32>
      %parallel_loop3A_141 = arith.constant 10 : i32
      %parallel_loop3A_142 = arith.index_cast %parallel_loop3A_141 : i32 to index
      %parallel_loop3A_143 = arith.index_cast %parallel_loop3A_71 : i32 to index
      %parallel_loop3A_144 = tpu.vector_load %arg5[%parallel_loop3A_142, %parallel_loop3A_143] {strides = array<i32>} : memref<24x512xi32, #tpu.memory_space<vmem>>, vector<1x16xi32>,
      %parallel_loop3A_145 = vector.shape_cast %parallel_loop3A_144 : vector<1x16xi32> to vector<16xi32>
      %parallel_loop3A_146 = arith.addi %parallel_loop3A_140, %parallel_loop3A_145 : vector<16xi32>
      %parallel_loop3A_147 = arith.addi %parallel_loop3A_146, %parallel_loop3A_146 : vector<16xi32>
      %parallel_loop3A_148 = arith.constant 11 : i32
      %parallel_loop3A_149 = arith.index_cast %parallel_loop3A_148 : i32 to index
      %parallel_loop3A_150 = arith.index_cast %parallel_loop3A_71 : i32 to index
      %parallel_loop3A_151 = tpu.vector_load %arg5[%parallel_loop3A_149, %parallel_loop3A_150] {strides = array<i32>} : memref<24x512xi32, #tpu.memory_space<vmem>>, vector<1x16xi32>,
      %parallel_loop3A_152 = vector.shape_cast %parallel_loop3A_151 : vector<1x16xi32> to vector<16xi32>
      %parallel_loop3A_153 = arith.addi %parallel_loop3A_147, %parallel_loop3A_152 : vector<16xi32>
      %parallel_loop3A_154 = arith.addi %parallel_loop3A_153, %parallel_loop3A_153 : vector<16xi32>
      %parallel_loop3A_155 = arith.constant 12 : i32
      %parallel_loop3A_156 = arith.index_cast %parallel_loop3A_155 : i32 to index
      %parallel_loop3A_157 = arith.index_cast %parallel_loop3A_71 : i32 to index
      %parallel_loop3A_158 = tpu.vector_load %arg5[%parallel_loop3A_156, %parallel_loop3A_157] {strides = array<i32>} : memref<24x512xi32, #tpu.memory_space<vmem>>, vector<1x16xi32>,
      %parallel_loop3A_159 = vector.shape_cast %parallel_loop3A_158 : vector<1x16xi32> to vector<16xi32>
      %parallel_loop3A_160 = arith.addi %parallel_loop3A_154, %parallel_loop3A_159 : vector<16xi32>
      %parallel_loop3A_161 = arith.addi %parallel_loop3A_160, %parallel_loop3A_160 : vector<16xi32>
      %parallel_loop3A_162 = arith.constant 13 : i32
      %parallel_loop3A_163 = arith.index_cast %parallel_loop3A_162 : i32 to index
      %parallel_loop3A_164 = arith.index_cast %parallel_loop3A_71 : i32 to index
      %parallel_loop3A_165 = tpu.vector_load %arg5[%parallel_loop3A_163, %parallel_loop3A_164] {strides = array<i32>} : memref<24x512xi32, #tpu.memory_space<vmem>>, vector<1x16xi32>,
      %parallel_loop3A_166 = vector.shape_cast %parallel_loop3A_165 : vector<1x16xi32> to vector<16xi32>
      %parallel_loop3A_167 = arith.addi %parallel_loop3A_161, %parallel_loop3A_166 : vector<16xi32>
      %parallel_loop3A_168 = arith.addi %parallel_loop3A_167, %parallel_loop3A_167 : vector<16xi32>
      %parallel_loop3A_169 = arith.constant 14 : i32
      %parallel_loop3A_170 = arith.index_cast %parallel_loop3A_169 : i32 to index
      %parallel_loop3A_171 = arith.index_cast %parallel_loop3A_71 : i32 to index
      %parallel_loop3A_172 = tpu.vector_load %arg5[%parallel_loop3A_170, %parallel_loop3A_171] {strides = array<i32>} : memref<24x512xi32, #tpu.memory_space<vmem>>, vector<1x16xi32>,
      %parallel_loop3A_173 = vector.shape_cast %parallel_loop3A_172 : vector<1x16xi32> to vector<16xi32>
      %parallel_loop3A_174 = arith.addi %parallel_loop3A_168, %parallel_loop3A_173 : vector<16xi32>
      %parallel_loop3A_175 = arith.addi %parallel_loop3A_174, %parallel_loop3A_174 : vector<16xi32>
      %parallel_loop3A_176 = arith.constant 15 : i32
      %parallel_loop3A_177 = arith.index_cast %parallel_loop3A_176 : i32 to index
      %parallel_loop3A_178 = arith.index_cast %parallel_loop3A_71 : i32 to index
      %parallel_loop3A_179 = tpu.vector_load %arg5[%parallel_loop3A_177, %parallel_loop3A_178] {strides = array<i32>} : memref<24x512xi32, #tpu.memory_space<vmem>>, vector<1x16xi32>,
      %parallel_loop3A_180 = vector.shape_cast %parallel_loop3A_179 : vector<1x16xi32> to vector<16xi32>
      %parallel_loop3A_181 = arith.addi %parallel_loop3A_175, %parallel_loop3A_180 : vector<16xi32>
      %parallel_loop3A_182 = arith.addi %parallel_loop3A_181, %parallel_loop3A_181 : vector<16xi32>
      %parallel_loop3A_183 = arith.constant 16 : i32
      %parallel_loop3A_184 = arith.index_cast %parallel_loop3A_183 : i32 to index
      %parallel_loop3A_185 = arith.index_cast %parallel_loop3A_71 : i32 to index
      %parallel_loop3A_186 = tpu.vector_load %arg5[%parallel_loop3A_184, %parallel_loop3A_185] {strides = array<i32>} : memref<24x512xi32, #tpu.memory_space<vmem>>, vector<1x16xi32>,
      %parallel_loop3A_187 = vector.shape_cast %parallel_loop3A_186 : vector<1x16xi32> to vector<16xi32>
      %parallel_loop3A_188 = arith.addi %parallel_loop3A_182, %parallel_loop3A_187 : vector<16xi32>
      %parallel_loop3A_189 = arith.addi %parallel_loop3A_188, %parallel_loop3A_188 : vector<16xi32>
      %parallel_loop3A_190 = arith.constant 17 : i32
      %parallel_loop3A_191 = arith.index_cast %parallel_loop3A_190 : i32 to index
      %parallel_loop3A_192 = arith.index_cast %parallel_loop3A_71 : i32 to index
      %parallel_loop3A_193 = tpu.vector_load %arg5[%parallel_loop3A_191, %parallel_loop3A_192] {strides = array<i32>} : memref<24x512xi32, #tpu.memory_space<vmem>>, vector<1x16xi32>,
      %parallel_loop3A_194 = vector.shape_cast %parallel_loop3A_193 : vector<1x16xi32> to vector<16xi32>
      %parallel_loop3A_195 = arith.addi %parallel_loop3A_189, %parallel_loop3A_194 : vector<16xi32>
      %parallel_loop3A_196 = arith.addi %parallel_loop3A_195, %parallel_loop3A_195 : vector<16xi32>
      %parallel_loop3A_197 = arith.constant 18 : i32
      %parallel_loop3A_198 = arith.index_cast %parallel_loop3A_197 : i32 to index
      %parallel_loop3A_199 = arith.index_cast %parallel_loop3A_71 : i32 to index
      %parallel_loop3A_200 = tpu.vector_load %arg5[%parallel_loop3A_198, %parallel_loop3A_199] {strides = array<i32>} : memref<24x512xi32, #tpu.memory_space<vmem>>, vector<1x16xi32>,
      %parallel_loop3A_201 = vector.shape_cast %parallel_loop3A_200 : vector<1x16xi32> to vector<16xi32>
      %parallel_loop3A_202 = arith.addi %parallel_loop3A_196, %parallel_loop3A_201 : vector<16xi32>
      %parallel_loop3A_203 = arith.addi %parallel_loop3A_202, %parallel_loop3A_202 : vector<16xi32>
      %parallel_loop3A_204 = arith.constant 19 : i32
      %parallel_loop3A_205 = arith.index_cast %parallel_loop3A_204 : i32 to index
      %parallel_loop3A_206 = arith.index_cast %parallel_loop3A_71 : i32 to index
      %parallel_loop3A_207 = tpu.vector_load %arg5[%parallel_loop3A_205, %parallel_loop3A_206] {strides = array<i32>} : memref<24x512xi32, #tpu.memory_space<vmem>>, vector<1x16xi32>,
      %parallel_loop3A_208 = vector.shape_cast %parallel_loop3A_207 : vector<1x16xi32> to vector<16xi32>
      %parallel_loop3A_209 = arith.addi %parallel_loop3A_203, %parallel_loop3A_208 : vector<16xi32>
      %parallel_loop3A_210 = arith.addi %parallel_loop3A_209, %parallel_loop3A_209 : vector<16xi32>
      %parallel_loop3A_211 = arith.constant 20 : i32
      %parallel_loop3A_212 = arith.index_cast %parallel_loop3A_211 : i32 to index
      %parallel_loop3A_213 = arith.index_cast %parallel_loop3A_71 : i32 to index
      %parallel_loop3A_214 = tpu.vector_load %arg5[%parallel_loop3A_212, %parallel_loop3A_213] {strides = array<i32>} : memref<24x512xi32, #tpu.memory_space<vmem>>, vector<1x16xi32>,
      %parallel_loop3A_215 = vector.shape_cast %parallel_loop3A_214 : vector<1x16xi32> to vector<16xi32>
      %parallel_loop3A_216 = arith.addi %parallel_loop3A_210, %parallel_loop3A_215 : vector<16xi32>
      %parallel_loop3A_217 = arith.addi %parallel_loop3A_216, %parallel_loop3A_216 : vector<16xi32>
      %parallel_loop3A_218 = arith.constant 21 : i32
      %parallel_loop3A_219 = arith.index_cast %parallel_loop3A_218 : i32 to index
      %parallel_loop3A_220 = arith.index_cast %parallel_loop3A_71 : i32 to index
      %parallel_loop3A_221 = tpu.vector_load %arg5[%parallel_loop3A_219, %parallel_loop3A_220] {strides = array<i32>} : memref<24x512xi32, #tpu.memory_space<vmem>>, vector<1x16xi32>,
      %parallel_loop3A_222 = vector.shape_cast %parallel_loop3A_221 : vector<1x16xi32> to vector<16xi32>
      %parallel_loop3A_223 = arith.addi %parallel_loop3A_217, %parallel_loop3A_222 : vector<16xi32>
      %parallel_loop3A_224 = arith.addi %parallel_loop3A_223, %parallel_loop3A_223 : vector<16xi32>
      %parallel_loop3A_225 = arith.constant 22 : i32
      %parallel_loop3A_226 = arith.index_cast %parallel_loop3A_225 : i32 to index
      %parallel_loop3A_227 = arith.index_cast %parallel_loop3A_71 : i32 to index
      %parallel_loop3A_228 = tpu.vector_load %arg5[%parallel_loop3A_226, %parallel_loop3A_227] {strides = array<i32>} : memref<24x512xi32, #tpu.memory_space<vmem>>, vector<1x16xi32>,
      %parallel_loop3A_229 = vector.shape_cast %parallel_loop3A_228 : vector<1x16xi32> to vector<16xi32>
      %parallel_loop3A_230 = arith.addi %parallel_loop3A_224, %parallel_loop3A_229 : vector<16xi32>
      %parallel_loop3A_231 = arith.addi %parallel_loop3A_230, %parallel_loop3A_230 : vector<16xi32>
      %parallel_loop3A_232 = arith.constant 23 : i32
      %parallel_loop3A_233 = arith.index_cast %parallel_loop3A_232 : i32 to index
      %parallel_loop3A_234 = arith.index_cast %parallel_loop3A_71 : i32 to index
      %parallel_loop3A_235 = tpu.vector_load %arg5[%parallel_loop3A_233, %parallel_loop3A_234] {strides = array<i32>} : memref<24x512xi32, #tpu.memory_space<vmem>>, vector<1x16xi32>,
      %parallel_loop3A_236 = vector.shape_cast %parallel_loop3A_235 : vector<1x16xi32> to vector<16xi32>
      %parallel_loop3A_237 = arith.addi %parallel_loop3A_231, %parallel_loop3A_236 : vector<16xi32>
      %parallel_loop3A_238 = arith.index_cast %parallel_loop3A_71 : i32 to index
      %parallel_loop3A_239 = tpu.vector_load %arg6[%parallel_loop3A_238] {strides = array<i32>} : memref<512xi32, #tpu.memory_space<vmem>>, vector<16xi32>,
      %parallel_loop3A_240 = vector.shape_cast %parallel_loop3A_239 : vector<16xi32> to vector<16xi32>
      %parallel_loop3A_241 = vector.shape_cast %parallel_loop3A_237 : vector<16xi32> to vector<16xi32>
      tpu.vector_store %arg6[%parallel_loop3A_238], %parallel_loop3A_241 {strides = array<i32>} : memref<512xi32, #tpu.memory_space<vmem>>, vector<16xi32>,
    } {sc.loop_unroll_factor = 2 : i64, sc.parallel_access}
    %dma_start3A = arith.constant 0 : i32
    %dma_start3A_5 = arith.constant 0 : i32
    %dma_start3A_6 = tpu.memref_slice %arg7[%dma_start3A, %dma_start3A_5] : memref<4x128xf32, #tpu.memory_space<vmem>> -> memref<1x128xf32, #tpu.memory_space<vmem>>
    %dma_start3A_7 = tpu.memref_squeeze %dma_start3A_6 : memref<1x128xf32, #tpu.memory_space<vmem>> -> memref<128xf32, #tpu.memory_space<vmem>>
    %dma_start3A_8 = arith.constant 0 : i32
    %dma_start3A_9 = tpu.memref_slice %arg6[%dma_start3A_8] : memref<512xi32, #tpu.memory_space<vmem>> -> memref<128xi32, #tpu.memory_space<vmem>>
    %dma_start3A_10 = arith.constant 0 : i32
    %dma_start3A_11 = tpu.memref_slice %arg3[%dma_start3A_10] : memref<16777216xf32, #tpu.memory_space<hbm>> -> memref<16777216xf32, #tpu.memory_space<hbm>>
    tpu.enqueue_indirect_dma source(%dma_start3A_11 : memref<16777216xf32, #tpu.memory_space<hbm>>) target(%dma_start3A_7 : memref<128xf32, #tpu.memory_space<vmem>>) offsets(%dma_start3A_9 : memref<128xi32, #tpu.memory_space<vmem>>) semaphore(%arg8 : memref<!tpu.dma_semaphore, #tpu.memory_space<semaphore_mem>>)
    %dma_start3A_12 = arith.constant 1 : i32
    %dma_start3A_13 = arith.constant 0 : i32
    %dma_start3A_14 = tpu.memref_slice %arg7[%dma_start3A_12, %dma_start3A_13] : memref<4x128xf32, #tpu.memory_space<vmem>> -> memref<1x128xf32, #tpu.memory_space<vmem>>
    %dma_start3A_15 = tpu.memref_squeeze %dma_start3A_14 : memref<1x128xf32, #tpu.memory_space<vmem>> -> memref<128xf32, #tpu.memory_space<vmem>>
    %dma_start3A_16 = arith.constant 128 : i32
    %dma_start3A_17 = tpu.memref_slice %arg6[%dma_start3A_16] : memref<512xi32, #tpu.memory_space<vmem>> -> memref<128xi32, #tpu.memory_space<vmem>>
    %dma_start3A_18 = arith.constant 0 : i32
    %dma_start3A_19 = tpu.memref_slice %arg3[%dma_start3A_18] : memref<16777216xf32, #tpu.memory_space<hbm>> -> memref<16777216xf32, #tpu.memory_space<hbm>>
    tpu.enqueue_indirect_dma source(%dma_start3A_19 : memref<16777216xf32, #tpu.memory_space<hbm>>) target(%dma_start3A_15 : memref<128xf32, #tpu.memory_space<vmem>>) offsets(%dma_start3A_17 : memref<128xi32, #tpu.memory_space<vmem>>) semaphore(%arg8 : memref<!tpu.dma_semaphore, #tpu.memory_space<semaphore_mem>>)
    %dma_start3A_20 = arith.constant 2 : i32
    %dma_start3A_21 = arith.constant 0 : i32
    %dma_start3A_22 = tpu.memref_slice %arg7[%dma_start3A_20, %dma_start3A_21] : memref<4x128xf32, #tpu.memory_space<vmem>> -> memref<1x128xf32, #tpu.memory_space<vmem>>
    %dma_start3A_23 = tpu.memref_squeeze %dma_start3A_22 : memref<1x128xf32, #tpu.memory_space<vmem>> -> memref<128xf32, #tpu.memory_space<vmem>>
    %dma_start3A_24 = arith.constant 256 : i32
    %dma_start3A_25 = tpu.memref_slice %arg6[%dma_start3A_24] : memref<512xi32, #tpu.memory_space<vmem>> -> memref<128xi32, #tpu.memory_space<vmem>>
    %dma_start3A_26 = arith.constant 0 : i32
    %dma_start3A_27 = tpu.memref_slice %arg3[%dma_start3A_26] : memref<16777216xf32, #tpu.memory_space<hbm>> -> memref<16777216xf32, #tpu.memory_space<hbm>>
    tpu.enqueue_indirect_dma source(%dma_start3A_27 : memref<16777216xf32, #tpu.memory_space<hbm>>) target(%dma_start3A_23 : memref<128xf32, #tpu.memory_space<vmem>>) offsets(%dma_start3A_25 : memref<128xi32, #tpu.memory_space<vmem>>) semaphore(%arg8 : memref<!tpu.dma_semaphore, #tpu.memory_space<semaphore_mem>>)
    %dma_start3A_28 = arith.constant 3 : i32
    %dma_start3A_29 = arith.constant 0 : i32
    %dma_start3A_30 = tpu.memref_slice %arg7[%dma_start3A_28, %dma_start3A_29] : memref<4x128xf32, #tpu.memory_space<vmem>> -> memref<1x128xf32, #tpu.memory_space<vmem>>
    %dma_start3A_31 = tpu.memref_squeeze %dma_start3A_30 : memref<1x128xf32, #tpu.memory_space<vmem>> -> memref<128xf32, #tpu.memory_space<vmem>>
    %dma_start3A_32 = arith.constant 384 : i32
    %dma_start3A_33 = tpu.memref_slice %arg6[%dma_start3A_32] : memref<512xi32, #tpu.memory_space<vmem>> -> memref<128xi32, #tpu.memory_space<vmem>>
    %dma_start3A_34 = arith.constant 0 : i32
    %dma_start3A_35 = tpu.memref_slice %arg3[%dma_start3A_34] : memref<16777216xf32, #tpu.memory_space<hbm>> -> memref<16777216xf32, #tpu.memory_space<hbm>>
    tpu.enqueue_indirect_dma source(%dma_start3A_35 : memref<16777216xf32, #tpu.memory_space<hbm>>) target(%dma_start3A_31 : memref<128xf32, #tpu.memory_space<vmem>>) offsets(%dma_start3A_33 : memref<128xi32, #tpu.memory_space<vmem>>) semaphore(%arg8 : memref<!tpu.dma_semaphore, #tpu.memory_space<semaphore_mem>>)
    %dma_wait3A = arith.constant 0 : i32
    %dma_wait3A_36 = arith.constant 0 : i32
    %dma_wait3A_37 = tpu.memref_slice %arg7[%dma_wait3A, %dma_wait3A_36] : memref<4x128xf32, #tpu.memory_space<vmem>> -> memref<1x128xf32, #tpu.memory_space<vmem>>
    %dma_wait3A_38 = tpu.memref_squeeze %dma_wait3A_37 : memref<1x128xf32, #tpu.memory_space<vmem>> -> memref<128xf32, #tpu.memory_space<vmem>>
    %dma_wait3A_39 = arith.constant 0 : i32
    %dma_wait3A_40 = tpu.memref_slice %arg6[%dma_wait3A_39] : memref<512xi32, #tpu.memory_space<vmem>> -> memref<128xi32, #tpu.memory_space<vmem>>
    %dma_wait3A_41 = arith.constant 0 : i32
    %dma_wait3A_42 = tpu.memref_slice %arg3[%dma_wait3A_41] : memref<16777216xf32, #tpu.memory_space<hbm>> -> memref<16777216xf32, #tpu.memory_space<hbm>>
    tpu.wait_indirect_dma semaphore(%arg8 : memref<!tpu.dma_semaphore, #tpu.memory_space<semaphore_mem>>) src(%dma_wait3A_42 : memref<16777216xf32, #tpu.memory_space<hbm>>) dst(%dma_wait3A_38 : memref<128xf32, #tpu.memory_space<vmem>>)
    %dma_wait3A_43 = arith.constant 1 : i32
    %dma_wait3A_44 = arith.constant 0 : i32
    %dma_wait3A_45 = tpu.memref_slice %arg7[%dma_wait3A_43, %dma_wait3A_44] : memref<4x128xf32, #tpu.memory_space<vmem>> -> memref<1x128xf32, #tpu.memory_space<vmem>>
    %dma_wait3A_46 = tpu.memref_squeeze %dma_wait3A_45 : memref<1x128xf32, #tpu.memory_space<vmem>> -> memref<128xf32, #tpu.memory_space<vmem>>
    %dma_wait3A_47 = arith.constant 128 : i32
    %dma_wait3A_48 = tpu.memref_slice %arg6[%dma_wait3A_47] : memref<512xi32, #tpu.memory_space<vmem>> -> memref<128xi32, #tpu.memory_space<vmem>>
    %dma_wait3A_49 = arith.constant 0 : i32
    %dma_wait3A_50 = tpu.memref_slice %arg3[%dma_wait3A_49] : memref<16777216xf32, #tpu.memory_space<hbm>> -> memref<16777216xf32, #tpu.memory_space<hbm>>
    tpu.wait_indirect_dma semaphore(%arg8 : memref<!tpu.dma_semaphore, #tpu.memory_space<semaphore_mem>>) src(%dma_wait3A_50 : memref<16777216xf32, #tpu.memory_space<hbm>>) dst(%dma_wait3A_46 : memref<128xf32, #tpu.memory_space<vmem>>)
    %dma_wait3A_51 = arith.constant 2 : i32
    %dma_wait3A_52 = arith.constant 0 : i32
    %dma_wait3A_53 = tpu.memref_slice %arg7[%dma_wait3A_51, %dma_wait3A_52] : memref<4x128xf32, #tpu.memory_space<vmem>> -> memref<1x128xf32, #tpu.memory_space<vmem>>
    %dma_wait3A_54 = tpu.memref_squeeze %dma_wait3A_53 : memref<1x128xf32, #tpu.memory_space<vmem>> -> memref<128xf32, #tpu.memory_space<vmem>>
    %dma_wait3A_55 = arith.constant 256 : i32
    %dma_wait3A_56 = tpu.memref_slice %arg6[%dma_wait3A_55] : memref<512xi32, #tpu.memory_space<vmem>> -> memref<128xi32, #tpu.memory_space<vmem>>
    %dma_wait3A_57 = arith.constant 0 : i32
    %dma_wait3A_58 = tpu.memref_slice %arg3[%dma_wait3A_57] : memref<16777216xf32, #tpu.memory_space<hbm>> -> memref<16777216xf32, #tpu.memory_space<hbm>>
    tpu.wait_indirect_dma semaphore(%arg8 : memref<!tpu.dma_semaphore, #tpu.memory_space<semaphore_mem>>) src(%dma_wait3A_58 : memref<16777216xf32, #tpu.memory_space<hbm>>) dst(%dma_wait3A_54 : memref<128xf32, #tpu.memory_space<vmem>>)
    %dma_wait3A_59 = arith.constant 3 : i32
    %dma_wait3A_60 = arith.constant 0 : i32
    %dma_wait3A_61 = tpu.memref_slice %arg7[%dma_wait3A_59, %dma_wait3A_60] : memref<4x128xf32, #tpu.memory_space<vmem>> -> memref<1x128xf32, #tpu.memory_space<vmem>>
    %dma_wait3A_62 = tpu.memref_squeeze %dma_wait3A_61 : memref<1x128xf32, #tpu.memory_space<vmem>> -> memref<128xf32, #tpu.memory_space<vmem>>
    %dma_wait3A_63 = arith.constant 384 : i32
    %dma_wait3A_64 = tpu.memref_slice %arg6[%dma_wait3A_63] : memref<512xi32, #tpu.memory_space<vmem>> -> memref<128xi32, #tpu.memory_space<vmem>>
    %dma_wait3A_65 = arith.constant 0 : i32
    %dma_wait3A_66 = tpu.memref_slice %arg3[%dma_wait3A_65] : memref<16777216xf32, #tpu.memory_space<hbm>> -> memref<16777216xf32, #tpu.memory_space<hbm>>
    tpu.wait_indirect_dma semaphore(%arg8 : memref<!tpu.dma_semaphore, #tpu.memory_space<semaphore_mem>>) src(%dma_wait3A_66 : memref<16777216xf32, #tpu.memory_space<hbm>>) dst(%dma_wait3A_62 : memref<128xf32, #tpu.memory_space<vmem>>)
    %mul3A_67 = arith.constant 4 : i32
    %mul3A_68 = arith.muli %add3A, %mul3A_67 : i32
    "tpu.region"() ({
      %run_scoped3A = tpu.sem_alloc : memref<!tpu.dma_semaphore, #tpu.memory_space<semaphore_mem>>
      %dma_start3A_69 = arith.constant 0 : i32
      %dma_start3A_70 = tpu.memref_slice %arg4[%mul3A_68, %dma_start3A_69] : memref<128x128xf32, #tpu.memory_space<hbm>> -> memref<4x128xf32, #tpu.memory_space<hbm>>
      %dma_start3A_71 = arith.constant 0 : i32
      %dma_start3A_72 = tpu.memref_slice %arg4[%mul3A_68, %dma_start3A_71] : memref<128x128xf32, #tpu.memory_space<hbm>> -> memref<4x128xf32, #tpu.memory_space<hbm>>
      tpu.enqueue_dma source(%arg7 : memref<4x128xf32, #tpu.memory_space<vmem>>) target(%dma_start3A_72 : memref<4x128xf32, #tpu.memory_space<hbm>>) target_semaphore(%run_scoped3A : memref<!tpu.dma_semaphore, #tpu.memory_space<semaphore_mem>>)
      %dma_wait3A_73 = arith.constant 0 : i32
      %dma_wait3A_74 = tpu.memref_slice %arg4[%mul3A_68, %dma_wait3A_73] : memref<128x128xf32, #tpu.memory_space<hbm>> -> memref<4x128xf32, #tpu.memory_space<hbm>>
      %dma_wait3A_75 = arith.constant 0 : i32
      %dma_wait3A_76 = tpu.memref_slice %arg4[%mul3A_68, %dma_wait3A_75] : memref<128x128xf32, #tpu.memory_space<hbm>> -> memref<4x128xf32, #tpu.memory_space<hbm>>
      tpu.wait_dma2 semaphore(%run_scoped3A : memref<!tpu.dma_semaphore, #tpu.memory_space<semaphore_mem>>) src(%arg7 : memref<4x128xf32, #tpu.memory_space<vmem>>) dst(%dma_wait3A_76 : memref<4x128xf32, #tpu.memory_space<hbm>>)
      tpu.yield
    }) : () -> ()
    return
  }
}

</mosaic_0001>

<sc_bundles>
// kernel: _run.3.cloned.1.call-start
scs
__scs_entry_jumppad:
0x0: {  	(pc) =	sbr.rel $0x88, $3  }
0x1: {  	(tag) =	ssettag $0x0;
	lr =	simm.s32 $0x1  }
0x2: {  	[smem:$0x3F9F] =	sst lr;
	_ =	strace $0xD0000000  }
0x3: {  	_ = 	snop  }
0x4: {  	_ = 	snop  }
0x5: {  	_ = 	snop  }
0x6: {  	_ = 	snop  }
0x7: {  	_ = 	snop  }
__scs_overlays_trampoline_lowered:
0x8: {  	[smem:$0x3FAE] =	sst s0  }
0x9: {  	[smem:$0x3FAF] =	sst s1  }
0xa: {  	[smem:$0x3FB0] =	sst s2  }
0xb: {  	[smem:$0x3FB1] =	sst s3  }
0xc: {  	[smem:$0x3FB2] =	sst s4  }
0xd: {  	[smem:$0x3FB3] =	sst s5  }
0xe: {  	[smem:$0x3FB4] =	sst s6  }
0xf: {  	[smem:$0x3FB5] =	sst s7  }
0x10: {  	[smem:$0x3FB6] =	sst s8  }
0x11: {  	[smem:$0x3FB7] =	sst s9;
	s0 =	simm.s32 @!p0 $0x0  }
0x12: {  	s1 =	sld [smem:$0x3F9D];
	s0 =	simm.s32 @p0 $0x1  }
0x13: {  	[smem:$0x3FB8] =	sst s0;
	s0 =	simm.s32 @!p1 $0x0  }
0x14: {  	s2 =	sld [smem:$0x3F9C];
	s0 =	simm.s32 @p1 $0x1  }
0x15: {  	[smem:$0x3FB9] =	sst s0;
	s0 =	simm.s32 @!p2 $0x0  }
0x16: {  	s3 =	sld [smem:$0x3FDB];
	s0 =	simm.s32 @p2 $0x1  }
0x17: {  	s4 =	simm.s32 $0x1BF5;
	[smem:$0x3FBB] =	sst s0  }
0x18: {  	s0 =	sld [smem:$0x3F9E];
	_ =	swait.ge [sflag:s4], $0x0  }
0x19: {  	s7 =	sld [smem:$0x3F9F]  }
0x1a: {  	s8 =	sadd.s32 $0xFFFFE003, lr  }
0x1b: {  	s9 =	sadd.s32 $0xFFFFFEF7, lr;
	s5 =	simm.s32 $0xFFFFFFFF;
	p2 =	slt.u32 s8, $0xFFFFF086  }
0x1c: {  	p1 =	slt.u32 s9, $0xF7A;
	s5 =	simm.s32 @!p2 $0x0  }
0x1d: {  	s5 =	simm.s32 @p1 $0x1;
	p0 =	seq.s32 s7, s2  }
0x1e: {  	s7 =	smul.u32 @!p0 $0xF7A, s2;
	p2 =	seq.s32 @!p0 s5, $0x0  }
0x1f: {  	s9 =	smul.u32 $0xF7A, s1;
	s8 =	simm.s32 @!p0 $0x1BF5;
	p2 =	por !p2, p0  }
0x20: {  	[sflag:s8] =	ssyncset.s32 @!p0 $0xFFFFF086;
	s6 =	sadd.s32 @!p0 s3, s7;
	s7 =	simm.s32 @!p0 $0x108  }
0x21: {  	s3 =	sadd.s32 s3, s9;
	s6 =	sadd.s32 @!p0 $0x88, s6;
	s7 =	simm.s32 @p2 $0x1082  }
0x22: {  	[simem:s7], [sflag:s8] =	dma.local @!p0 [hbm:s6], $0xF7A  }
0x23: {  	s9 =	sor.u32 $0xD0000000, s2;
	s6 =	simm.s32 $0x108;
	_ =	swait.ge @!p0 [sflag:s8], $0x0  }
0x24: {  	s3 =	sadd.s32 $0x88, s3;
	s6 =	simm.s32 @!p1 $0x1082;
	[sflag:s4] =	ssyncset.s32 $0xFFFFF086  }
0x25: {  	[simem:s6], [sflag:s4] =	dma.local [hbm:s3], $0xF7A  }
0x26: {  	[smem:$0x3F9F] =	sst s1;
	(tag) =	ssettag s2;
	_ =	strace s9  }
0x27: {  	s1 =	sld [smem:$0x3FAF]  }
0x28: {  	s2 =	sld [smem:$0x3FB0]  }
0x29: {  	s4 =	sld [smem:$0x3FB2]  }
0x2a: {  	p0 =	seq.s32 s5, $0x0;
	s5 =	sld [smem:$0x3FB3]  }
0x2b: {  	s6 =	sld [smem:$0x3FB4]  }
0x2c: {  	s7 =	sld [smem:$0x3FB5]  }
0x2d: {  	s3 =	simm.s32 $0x108;
	s8 =	sld [smem:$0x3FB6]  }
0x2e: {  	s3 =	simm.s32 @!p0 $0x1082;
	s9 =	sld [smem:$0x3FB7]  }
0x2f: {  	lr =	sadd.s32 s0, s3;
	s0 =	sld [smem:$0x3FAE]  }
0x30: {  	s3 =	sld [smem:$0x3FB1]  }
0x31: {  	[smem:$0x3FBA] =	sst s10  }
0x32: {  	s10 =	sld [smem:$0x3FB8];
	_ =	sdelay $0x3  }
0x33: {  	p0 =	seq.s32 s10, $0x1;
	s10 =	sld [smem:$0x3FBA];
	_ =	sdelay $0x3  }
0x34: {  	[smem:$0x3FBA] =	sst s10  }
0x35: {  	s10 =	sld [smem:$0x3FB9];
	_ =	sdelay $0x3  }
0x36: {  	p1 =	seq.s32 s10, $0x1;
	s10 =	sld [smem:$0x3FBA];
	_ =	sdelay $0x3  }
0x37: {  	[smem:$0x3FBA] =	sst s10  }
0x38: {  	s10 =	sld [smem:$0x3FBB]  }
0x39: {  	_ = 	snop;
	(pc) =	sbr.ind lr, $3  }
0x3a: {  	_ = 	snop  }
0x3b: {  	_ = 	snop  }
0x3c: {  	p2 =	seq.s32 s10, $0x1;
	s10 =	sld [smem:$0x3FBA]  }
0x3d: {  	_ =	shalt  }
0x3e: {  	_ =	shalt  }
0x3f: {  	_ =	shalt  }
0x40: {  	_ =	shalt  }
0x41: {  	_ =	shalt  }
0x42: {  	_ =	shalt  }
0x43: {  	_ =	shalt  }
0x44: {  	_ =	shalt  }
0x45: {  	_ =	shalt  }
0x46: {  	_ =	shalt  }
0x47: {  	_ =	shalt  }
0x48: {  	_ =	shalt  }
0x49: {  	_ =	shalt  }
0x4a: {  	_ =	shalt  }
0x4b: {  	_ =	shalt  }
0x4c: {  	_ =	shalt  }
0x4d: {  	_ =	shalt  }
0x4e: {  	_ =	shalt  }
0x4f: {  	_ =	shalt  }
0x50: {  	_ =	shalt  }
0x51: {  	_ =	shalt  }
0x52: {  	_ =	shalt  }
0x53: {  	_ =	shalt  }
0x54: {  	_ =	shalt  }
0x55: {  	_ =	shalt  }
0x56: {  	_ =	shalt  }
0x57: {  	_ =	shalt  }
0x58: {  	_ =	shalt  }
0x59: {  	_ =	shalt  }
0x5a: {  	_ =	shalt  }
0x5b: {  	_ =	shalt  }
0x5c: {  	_ =	shalt  }
0x5d: {  	_ =	shalt  }
0x5e: {  	_ =	shalt  }
0x5f: {  	_ =	shalt  }
0x60: {  	_ =	shalt  }
0x61: {  	_ =	shalt  }
0x62: {  	_ =	shalt  }
0x63: {  	_ =	shalt  }
0x64: {  	_ =	shalt  }
0x65: {  	_ =	shalt  }
0x66: {  	_ =	shalt  }
0x67: {  	_ =	shalt  }
0x68: {  	_ =	shalt  }
0x69: {  	_ =	shalt  }
0x6a: {  	_ =	shalt  }
0x6b: {  	_ =	shalt  }
0x6c: {  	_ =	shalt  }
0x6d: {  	_ =	shalt  }
0x6e: {  	_ =	shalt  }
0x6f: {  	_ =	shalt  }
0x70: {  	_ =	shalt  }
0x71: {  	_ =	shalt  }
0x72: {  	_ =	shalt  }
0x73: {  	_ =	shalt  }
0x74: {  	_ =	shalt  }
0x75: {  	_ =	shalt  }
0x76: {  	_ =	shalt  }
0x77: {  	_ =	shalt  }
0x78: {  	_ =	shalt  }
0x79: {  	_ =	shalt  }
0x7a: {  	_ =	shalt  }
0x7b: {  	_ =	shalt  }
0x7c: {  	_ =	shalt  }
0x7d: {  	_ =	shalt  }
0x7e: {  	_ =	shalt  }
0x7f: {  	_ =	shalt  }
0x80: {  	_ =	shalt  }
0x81: {  	_ =	shalt  }
0x82: {  	_ =	shalt  }
0x83: {  	_ =	shalt  }
0x84: {  	_ =	shalt  }
0x85: {  	_ =	shalt  }
0x86: {  	_ =	shalt  }
0x87: {  	_ =	shalt  }
.Lfunc_end0:
.L_simem_size_0:
called_computation_lowered:
.L_overlay_start_0:
0x88: {  	s2 =	sld [smem:$0x3FD9]  }
0x89: {  	s3 =	sld [smem:$0x3FFE];
	_ =	sdelay $0x1  }
0x8a: {  	s1 =	srdreg.scid  }
0x8b: {  	s0 =	sand.u32 $0x1, s1  }
0x8c: {  	s18 =	sshll.u32 s0, $0xA;
	s2 =	sadd.s32 s3, s2  }
0x8d: {  	s2 =	sadd.s32 s2, s18  }
0x8e: {  	[smem:$0x3FC6] =	sst s2  }
0x8f: {  	_ = 	snop  }
0x90: {  	s2 =	sld [smem:$0x3FC9]  }
0x91: {  	s19 =	sld [smem:$0x3FC8]  }
0x92: {  	s4 =	sld [smem:$0x3FD0];
	(tm) =	ssettm $0x1  }
0x93: {  	s5 =	sld [smem:$0x3FFB];
	_ =	sdelay $0x3  }
0x94: {  	_ =	strace s5  }
0x95: {  	s5 =	sld [smem:$0x3FFC];
	_ =	sdelay $0x3  }
0x96: {  	_ =	strace s5  }
0x97: {  	s5 =	sld [smem:$0x3FFD];
	_ =	sdelay $0x3  }
0x98: {  	_ =	strace s5  }
0x99: {  	_ =	strace $0x8FFFFFFF  }
0x9a: {  	s20 =	sld [smem:$0x3FDB];
	_ =	sdelay $0x1  }
0x9b: {  	s6 =	simm.s32 $_scs_section_size  }
0x9c: {  	s7 =	simm.s32 $_size__tile_overlayer_lowered;
	s8 =	simm.s32 $_tile_overlayer_lowered  }
0x9d: {  	s23 =	simm.s32 $0x1BFF;
	s22 =	sshll.u32 s8, $0x1;
	s5 =	sadd.s32 s6, s20  }
0x9e: {  	s9 =	simm.s32 $0x0;
	s21 =	sshll.u32 s7, $0x1;
	s7 =	sadd.s32 s22, s5  }
0x9f: {  	[timem:s9], [sflag:s23] =	dma.local [hbm:s7], s21  }
0xa0: {  	_ =	swait.ge [sflag:s23], s21  }
0xa1: {  	s6 =	ssub.s32 $0x0, s21;
	[sflag:s23] =	ssyncset.done $0x0  }
0xa2: {  	[sflag:s23] =	ssyncadd.s32 s6;
	_ =	sdelay $0x1  }
0xa3: {  	s24 =	simm.s32 $0x1B8B  }
0xa4: {  	_ =	swait.ge [sflag:s24], $0x1  }
0xa5: {  	[sflag:s24] =	ssyncset.done $0x0  }
0xa6: {  	s25 =	simm.s32 $0x1B8E;
	[sflag:s24] =	ssyncadd.s32 $0xFFFFFFFF  }
0xa7: {  	s26 =	simm.s32 $execute0_lowered;
	[smem:$0x3FD2] =	sst s25  }
0xa8: {  	s6 =	sshll.u32 s26, $0x1;
	_ =	strace $0x80000046;
	[dreg:$0x1] =	wrdreg $0xFFFFFFFF  }
0xa9: {  	s28 =	simm.s32 $_size_execute0_lowered;
	s5 =	sadd.s32 s5, s6;
	[dreg:$0x0] =	wrdreg $0x0  }
0xaa: {  	s6 =	sshll.u32 s28, $0x1;
	[dreg:$0x2] =	wrdreg s5  }
0xab: {  	[dreg:$0x3] =	wrdreg s6  }
0xac: {  	[dreg:$0x4] =	wrdreg $0xC0  }
0xad: {  	_ =	task [dreg:s9], $0x5FFFF  }
0xae: {  	[dreg:$0x1] =	wrdreg $0xFFFFFFFF  }
0xaf: {  	[dreg:$0x0] =	wrdreg $0x60  }
0xb0: {  	[dreg:$0x2] =	wrdreg s2  }
0xb1: {  	[dreg:$0x3] =	wrdreg s19  }
0xb2: {  	[dreg:$0x4] =	wrdreg s4  }
0xb3: {  	[dreg:$0x5] =	wrdreg $0x9  }
0xb4: {  	_ =	task.clear_ibuf [dreg:s9], $0x6FFFF;
	_ =	strace $0x90000046  }
0xb5: {  	s29 =	simm.s32 $0x9;
	_ =	strace $0x80000048  }
0xb6: {  	_ =	swait.ge [sflag:s29], $0x1  }
0xb7: {  	[sflag:s29] =	ssyncadd.s32 $0xFFFFFFFF  }
0xb8: {  	_ =	strace $0x90000048  }
0xb9: {  	_ =	sfence  }
0xba: {  	s30 =	sld [smem:$0x0];
	_ =	sdelay $0x2  }
0xbb: {  	s31 =	sshll.u32 s1, $0xD;
	s1 =	sshrl.u32 s1, $0x2  }
0xbc: {  	s3 =	sand.u32 $0x4000, s31;
	s1 =	sadd.s32 s1, s30  }
0xbd: {  	s0 =	sor.u32 s3, s0;
	s1 =	sshll.u32 s1, $0x11  }
0xbe: {  	s0 =	sor.u32 s1, s0  }
0xbf: {  	s0 =	sadd.s32 $0x8F2B, s0  }
0xc0: {  	[sflag:s0] =	ssyncadd.remote.s32 $0x1  }
0xc1: {  	_ =	sfence.sel $0xFFFF  }
0xc2: {  	[dreg:$0x0] =	wrdreg $0xFFFFFFFF;
	(pc) =	sbr.abs _section_cstart, $3  }
0xc3: {  	[dreg:$0x1] =	wrdreg $0xFFFFFFFF  }
0xc4: {  	_ =	task.clear_ibuf [dreg:s9], $0x2FFFF;
	_ =	strace $0x9FFFFFFF  }
0xc5: {  	(tm) =	ssettm $0x7FFFFFFF  }
tec
execute0_lowered:
.L_overlay_start_1:
0x0: {  	(tag) =	ssettag $0x1  }
0x1: {  	s4 =	rddreg [dreg:$0x0]  }
0x2: {  	s1 =	rddreg [dreg:$0x1]  }
0x3: {  	s5 =	rddreg [dreg:$0x2]  }
0x4: {  	s0 =	rddreg [dreg:$0x3];
	s3 =	simm.s32 $0x0;
	s6 =	srdreg.scid  }
0x5: {  	s2 =	stileid.u32;
	s10 =	simm.s32 $0x80;
	s11 =	simm.s32 $0x3000  }
0x6: {  	s12 =	simm.s32 $0x3200;
	s13 =	simm.s32 $0x3080;
	s14 =	simm.s32 $0x3280  }
0x7: {  	s15 =	simm.s32 $0x3100;
	s16 =	simm.s32 $0x3300;
	s17 =	simm.s32 $0x3180  }
0x8: {  	s18 =	simm.s32 $0x3380;
	s19 =	simm.s32 $0x1;
	s20 =	simm.s32 $0x0  }
0x9: {  	[smem:$0x7FF] =	sst s3;
	s6 =	sand.u32 $0x1, s6;
	s8 =	sshll.u32 s2, $0x7  }
0xa: {  	s7 =	ssub.s32 $0x2, s6;
	s6 =	sshll.u32 s6, $0x6;
	_ =	strace $0x80000047  }
0xb: {  	s9 =	sshrl.u32 s7, $0x1;
	s6 =	sor.u32 s6, s8;
	s8 =	simm.s32 $0x4000  }
0xc: {  	s7 =	ssub.s32 s7, s9;
	s4 =	sadd.s32 s4, s6;
	s5 =	sadd.s32 s5, s6  }
0xd: {  	s9 =	simm.s32 $0x2;
	s6 =	smax.u32 s7, $0x1;
	s7 =	simm.s32 $0x200  }
.LBB2_1:
0xe: {  	[tilespmem:s3], [sflag:$0x2] =	stream.strided.gather [hbm4b:s4+s7], $0x3000, s8, s7, $0x38;
	[tilespmem:$0x3400] =	vst v63  }
0xf: {  	_ =	swait.ge [sflag:s9], $0x3000  }
0x10: {  	[sflag:s9] =	ssyncset.done $0x0  }
0x11: {  	s23 =	simm.s32 $0x1800;
	[sflag:s9] =	ssyncadd.s32 $0xFFFFD000  }
0x12: {  	v0 =	vld [tilespmem:s23+$0xE10]  }
0x13: {  	v1 =	vld [tilespmem:s23+$0x610]  }
0x14: {  	v2 =	vld [tilespmem:s23+$0xFFFFFE10]  }
0x15: {  	v3 =	vld [tilespmem:s23+$0xFFFFF610]  }
0x16: {  	v4 =	vld [tilespmem:s23+$0xFFFFEC10]  }
0x17: {  	v5 =	vld [tilespmem:s23+$0xFFFFE810]  }
0x18: {  	v6 =	vld [tilespmem:s23+$0xFFFFEA10]  }
0x19: {  	v7 =	vld [tilespmem:s23+$0xFFFFEE10]  }
0x1a: {  	v8 =	vld [tilespmem:s23+$0xFFFFF010]  }
0x1b: {  	v9 =	vld [tilespmem:s23+$0xFFFFF210]  }
0x1c: {  	v10 =	vld [tilespmem:s23+$0xFFFFF410]  }
0x1d: {  	v11 =	vld [tilespmem:s23+$0xFFFFF810]  }
0x1e: {  	v12 =	vld [tilespmem:s23+$0xFFFFFA10]  }
0x1f: {  	v13 =	vld [tilespmem:s23+$0xFFFFFC10]  }
0x20: {  	v14 =	vld [tilespmem:s23+$0x10]  }
0x21: {  	v15 =	vld [tilespmem:s23+$0x210]  }
0x22: {  	v16 =	vld [tilespmem:s23+$0x410]  }
0x23: {  	v17 =	vld [tilespmem:s23+$0x810]  }
0x24: {  	v18 =	vld [tilespmem:s23+$0xA10]  }
0x25: {  	v47 =	vld [tilespmem:s23+$0x1210];
	v5 =	vshll.u32 v5, $0x2;
	v6 =	vshll.u32 v6, $0x1  }
0x26: {  	v48 =	vld [tilespmem:s23+$0xFFFFEA00];
	v5 =	vadd.s32 v5, v6  }
0x27: {  	v49 =	vld [tilespmem:s23+$0xFFFFE800];
	v4 =	vadd.s32 v4, v5;
	v5 =	vshll.u32 v7, $0x3;
	v7 =	vshll.u32 v8, $0x2  }
0x28: {  	v50 =	vld [tilespmem:s23+$0xFFFFEC00];
	v4 =	vshll.u32 v4, $0x4;
	v5 =	vadd.s32 v7, v5;
	v7 =	vshll.u32 v9, $0x1  }
0x29: {  	v51 =	vld [tilespmem:s23+$0xFFFFEE00];
	v4 =	vadd.s32 v5, v4;
	v5 =	vadd.s32 v7, v10  }
0x2a: {  	v52 =	vld [tilespmem:s23+$0xFFFFF200];
	v3 =	vshll.u32 v3, $0x3;
	v4 =	vadd.s32 v4, v5;
	v5 =	vshll.u32 v11, $0x2  }
0x2b: {  	v53 =	vld [tilespmem:s23+$0xFFFFF400];
	v4 =	vshll.u32 v4, $0x4;
	v3 =	vadd.s32 v5, v3;
	v5 =	vshll.u32 v12, $0x1  }
0x2c: {  	v56 =	vld [tilespmem:s23+$0xFFFFFC00];
	v3 =	vadd.s32 v3, v4;
	v4 =	vadd.s32 v5, v13  }
0x2d: {  	v2 =	vshll.u32 v2, $0x3;
	v6 =	vld [tilespmem:s23+$0xC10];
	v3 =	vadd.s32 v3, v4;
	v4 =	vshll.u32 v14, $0x2  }
0x2e: {  	v8 =	vld [tilespmem:s23+$0x1010];
	v3 =	vshll.u32 v3, $0x4;
	v2 =	vadd.s32 v4, v2;
	v4 =	vshll.u32 v15, $0x1  }
0x2f: {  	v58 =	vld [tilespmem:s23+$0x0];
	v1 =	vshll.u32 v1, $0x3;
	v2 =	vadd.s32 v2, v3;
	v3 =	vadd.s32 v4, v16  }
0x30: {  	v0 =	vshll.u32 v0, $0x3;
	v7 =	vld [tilespmem:s23+$0x1410];
	v2 =	vadd.s32 v2, v3;
	v3 =	vshll.u32 v17, $0x2  }
0x31: {  	v4 =	vld [tilespmem:s23+$0xFFFFF000];
	v2 =	vshll.u32 v2, $0x4;
	v1 =	vadd.s32 v3, v1;
	v3 =	vshll.u32 v18, $0x1  }
0x32: {  	v60 =	vld [tilespmem:s23+$0x200];
	v54 =	vshll.u32 v48, $0x1;
	v1 =	vadd.s32 v1, v2;
	v2 =	vadd.s32 v3, v6  }
0x33: {  	v55 =	vshll.u32 v49, $0x2;
	v3 =	vld [tilespmem:s23+$0xFFFFF600];
	v1 =	vadd.s32 v1, v2;
	v2 =	vshll.u32 v8, $0x2  }
0x34: {  	v6 =	vld [tilespmem:s23+$0xFFFFF800];
	v8 =	vshll.u32 v47, $0x1;
	v1 =	vshll.u32 v1, $0x4;
	v0 =	vadd.s32 v2, v0  }
0x35: {  	v2 =	vld [tilespmem:s23+$0xFFFFFA00];
	v0 =	vadd.s32 v0, v1;
	v1 =	vadd.s32 v8, v7;
	v7 =	vadd.s32 v55, v54  }
0x36: {  	v57 =	vshll.u32 v51, $0x3;
	v5 =	vld [tilespmem:s23+$0x1610];
	v4 =	vshll.u32 v4, $0x2;
	v7 =	vadd.s32 v50, v7  }
0x37: {  	v59 =	vshll.u32 v52, $0x1;
	v8 =	vld [tilespmem:s23+$0xFFFFFE00];
	v4 =	vadd.s32 v4, v57;
	v7 =	vshll.u32 v7, $0x4  }
0x38: {  	v0 =	vadd.s32 v0, v1;
	v1 =	vadd.s32 v4, v7;
	v4 =	vadd.s32 v59, v53;
	v7 =	vld [tilespmem:s23+$0x400]  }
0x39: {  	v3 =	vshll.u32 v3, $0x3;
	v1 =	vadd.s32 v1, v4;
	v4 =	vshll.u32 v6, $0x2;
	v6 =	vld [tilespmem:s23+$0x600]  }
0x3a: {  	v2 =	vshll.u32 v2, $0x1;
	v1 =	vshll.u32 v1, $0x4;
	v3 =	vadd.s32 v4, v3;
	v4 =	vld [tilespmem:s23+$0x800]  }
0x3b: {  	v61 =	vshll.u32 v0, $0x1;
	v0 =	vadd.s32 v3, v1;
	v1 =	vadd.s32 v2, v56;
	v2 =	vld [tilespmem:s23+$0xA00]  }
0x3c: {  	v3 =	vshll.u32 v58, $0x2;
	v0 =	vadd.s32 v0, v1;
	v1 =	vshll.u32 v8, $0x3;
	v8 =	vld [tilespmem:s23+$0xC00]  }
0x3d: {  	v62 =	vshll.u32 v0, $0x4;
	v1 =	vadd.s32 v3, v1;
	v3 =	vshll.u32 v60, $0x1;
	v0 =	vld [tilespmem:s23+$0xE00]  }
0x3e: {  	v5 =	vadd.s32 v5, v61;
	v63 =	vadd.s32 v1, v62;
	v3 =	vadd.s32 v3, v7;
	v1 =	vld [tilespmem:s23+$0x1000]  }
0x3f: {  	v6 =	vshll.u32 v6, $0x3;
	v7 =	vadd.s32 v63, v3;
	v4 =	vshll.u32 v4, $0x2;
	v3 =	vld [tilespmem:s23+$0x1200]  }
0x40: {  	s21 =	simm.s32 $0x3010;
	v7 =	vshll.u32 v7, $0x4;
	v6 =	vadd.s32 v4, v6;
	v2 =	vshll.u32 v2, $0x1;
	v4 =	vld [tilespmem:s23+$0x1400]  }
0x41: {  	s22 =	simm.s32 $0x0;
	[tilespmem:s21+$0x0] =	vst v5;
	v5 =	vadd.s32 v6, v7;
	v6 =	vadd.s32 v2, v8;
	v2 =	vld [tilespmem:s23+$0x1600];
	s23 =	simm.s32 $0x1820  }
.LBB2_2:
0x42: {  	v7 =	vld [tilespmem:s23+$0xE10];
	v5 =	vadd.s32 v5, v6;
	v0 =	vshll.u32 v0, $0x3  }
0x43: {  	v6 =	vld [tilespmem:s23+$0x610];
	v5 =	vshll.u32 v5, $0x4;
	v1 =	vshll.u32 v1, $0x2  }
0x44: {  	v8 =	vld [tilespmem:s23+$0xFFFFFE10];
	v0 =	vadd.s32 v1, v0;
	v1 =	vshll.u32 v3, $0x1  }
0x45: {  	v3 =	vld [tilespmem:s23+$0xFFFFF610];
	v0 =	vadd.s32 v0, v5;
	v1 =	vadd.s32 v1, v4  }
0x46: {  	v4 =	vld [tilespmem:s23+$0xFFFFEC10];
	v0 =	vadd.s32 v0, v1  }
0x47: {  	v1 =	vld [tilespmem:s23+$0xFFFFE810];
	v0 =	vshll.u32 v0, $0x1  }
0x48: {  	s22 =	sadd.s32 $0x2, s22;
	v5 =	vld [tilespmem:s23+$0xFFFFEA10];
	v0 =	vadd.s32 v2, v0  }
0x49: {  	p0 =	slt.u32 s22, $0x1E;
	v2 =	vld [tilespmem:s23+$0xFFFFEE10];
	[tilespmem:s21+$0xFFFFFFF0] =	vst v0  }
0x4a: {  	v0 =	vld [tilespmem:s23+$0xFFFFF010]  }
0x4b: {  	v9 =	vld [tilespmem:s23+$0xFFFFF210]  }
0x4c: {  	v10 =	vld [tilespmem:s23+$0xFFFFF410]  }
0x4d: {  	v1 =	vshll.u32 v1, $0x2;
	v5 =	vshll.u32 v5, $0x1;
	v11 =	vld [tilespmem:s23+$0xFFFFF810]  }
0x4e: {  	v1 =	vadd.s32 v1, v5;
	v5 =	vld [tilespmem:s23+$0xFFFFFA10]  }
0x4f: {  	v2 =	vshll.u32 v2, $0x3;
	v1 =	vadd.s32 v4, v1;
	v0 =	vshll.u32 v0, $0x2;
	v4 =	vld [tilespmem:s23+$0xFFFFFC10]  }
0x50: {  	v1 =	vshll.u32 v1, $0x4;
	v0 =	vadd.s32 v0, v2;
	v2 =	vshll.u32 v9, $0x1;
	v9 =	vld [tilespmem:s23+$0x10]  }
0x51: {  	v0 =	vadd.s32 v0, v1;
	v1 =	vadd.s32 v2, v10;
	v2 =	vld [tilespmem:s23+$0x210]  }
0x52: {  	v0 =	vadd.s32 v0, v1;
	v1 =	vshll.u32 v3, $0x3;
	v3 =	vshll.u32 v11, $0x2;
	v10 =	vld [tilespmem:s23+$0x410]  }
0x53: {  	v0 =	vshll.u32 v0, $0x4;
	v1 =	vadd.s32 v3, v1;
	v3 =	vshll.u32 v5, $0x1;
	v5 =	vld [tilespmem:s23+$0x810]  }
0x54: {  	v0 =	vadd.s32 v1, v0;
	v1 =	vadd.s32 v3, v4;
	v3 =	vld [tilespmem:s23+$0xA10]  }
0x55: {  	v0 =	vadd.s32 v0, v1;
	v1 =	vshll.u32 v8, $0x3;
	v4 =	vshll.u32 v9, $0x2;
	v8 =	vld [tilespmem:s23+$0xC10]  }
0x56: {  	v0 =	vshll.u32 v0, $0x4;
	v1 =	vadd.s32 v4, v1;
	v2 =	vshll.u32 v2, $0x1;
	v4 =	vld [tilespmem:s23+$0x1010]  }
0x57: {  	v0 =	vadd.s32 v1, v0;
	v1 =	vadd.s32 v2, v10;
	v2 =	vld [tilespmem:s23+$0x1210]  }
0x58: {  	v0 =	vadd.s32 v0, v1;
	v1 =	vshll.u32 v6, $0x3;
	v5 =	vshll.u32 v5, $0x2;
	v6 =	vld [tilespmem:s23+$0x1410]  }
0x59: {  	v9 =	vld [tilespmem:s23+$0xFFFFEA00];
	v0 =	vshll.u32 v0, $0x4;
	v1 =	vadd.s32 v5, v1;
	v3 =	vshll.u32 v3, $0x1  }
0x5a: {  	v5 =	vld [tilespmem:s23+$0xFFFFE800];
	v0 =	vadd.s32 v1, v0;
	v1 =	vadd.s32 v3, v8  }
0x5b: {  	v0 =	vadd.s32 v0, v1;
	v1 =	vshll.u32 v7, $0x3;
	v3 =	vshll.u32 v4, $0x2;
	v4 =	vld [tilespmem:s23+$0x1610]  }
0x5c: {  	v7 =	vld [tilespmem:s23+$0xFFFFEC00];
	v0 =	vshll.u32 v0, $0x4;
	v1 =	vadd.s32 v3, v1;
	v2 =	vshll.u32 v2, $0x1  }
0x5d: {  	v3 =	vld [tilespmem:s23+$0xFFFFEE00];
	v0 =	vadd.s32 v1, v0;
	v1 =	vadd.s32 v2, v6  }
0x5e: {  	v2 =	vshll.u32 v9, $0x1;
	v6 =	vld [tilespmem:s23+$0xFFFFF000];
	v0 =	vadd.s32 v0, v1  }
0x5f: {  	v1 =	vshll.u32 v5, $0x2;
	v5 =	vld [tilespmem:s23+$0xFFFFF200];
	v0 =	vshll.u32 v0, $0x1  }
0x60: {  	s21 =	sadd.s32 $0x20, s21;
	v1 =	vadd.s32 v1, v2;
	v2 =	vld [tilespmem:s23+$0xFFFFF400];
	v0 =	vadd.s32 v4, v0  }
0x61: {  	v1 =	vadd.s32 v7, v1;
	v4 =	vld [tilespmem:s23+$0xFFFFF600];
	[tilespmem:s21+$0x0] =	vst v0  }
0x62: {  	v0 =	vshll.u32 v1, $0x4;
	v1 =	vshll.u32 v3, $0x3;
	v3 =	vld [tilespmem:s23+$0xFFFFF800]  }
0x63: {  	v6 =	vshll.u32 v6, $0x2;
	v7 =	vld [tilespmem:s23+$0xFFFFFA00]  }
0x64: {  	v1 =	vadd.s32 v6, v1;
	v5 =	vshll.u32 v5, $0x1;
	v6 =	vld [tilespmem:s23+$0xFFFFFC00]  }
0x65: {  	v0 =	vadd.s32 v1, v0;
	v1 =	vadd.s32 v5, v2;
	v2 =	vld [tilespmem:s23+$0xFFFFFE00]  }
0x66: {  	v0 =	vadd.s32 v0, v1;
	v1 =	vshll.u32 v4, $0x3;
	v4 =	vld [tilespmem:s23+$0x0]  }
0x67: {  	v0 =	vshll.u32 v0, $0x4;
	v3 =	vshll.u32 v3, $0x2;
	v5 =	vld [tilespmem:s23+$0x200]  }
0x68: {  	v1 =	vadd.s32 v3, v1;
	v3 =	vshll.u32 v7, $0x1;
	v7 =	vld [tilespmem:s23+$0x400]  }
0x69: {  	v0 =	vadd.s32 v1, v0;
	v1 =	vadd.s32 v3, v6;
	v3 =	vld [tilespmem:s23+$0x600]  }
0x6a: {  	v0 =	vadd.s32 v0, v1;
	v1 =	vshll.u32 v2, $0x3;
	v2 =	vld [tilespmem:s23+$0x800]  }
0x6b: {  	v0 =	vshll.u32 v0, $0x4;
	v4 =	vshll.u32 v4, $0x2;
	v6 =	vld [tilespmem:s23+$0xA00]  }
0x6c: {  	v1 =	vadd.s32 v4, v1;
	v4 =	vshll.u32 v5, $0x1;
	v8 =	vld [tilespmem:s23+$0xC00]  }
.Ltmp0:
0x6d: {  	v1 =	vadd.s32 v1, v0;
	v4 =	vadd.s32 v4, v7;
	v0 =	vld [tilespmem:s23+$0xE00];
	(pc) =	sbr.rel @p0 .LBB2_2-.Ltmp0, $4  }
0x6e: {  	v4 =	vadd.s32 v1, v4;
	v5 =	vshll.u32 v3, $0x3;
	v1 =	vld [tilespmem:s23+$0x1000]  }
0x6f: {  	v7 =	vshll.u32 v4, $0x4;
	v2 =	vshll.u32 v2, $0x2;
	v3 =	vld [tilespmem:s23+$0x1200]  }
0x70: {  	v2 =	vadd.s32 v2, v5;
	v6 =	vshll.u32 v6, $0x1;
	v4 =	vld [tilespmem:s23+$0x1400]  }
0x71: {  	v5 =	vadd.s32 v2, v7;
	v6 =	vadd.s32 v6, v8;
	v2 =	vld [tilespmem:s23+$0x1600];
	s23 =	sadd.s32 $0x20, s23  }
0x72: {  	_ = 	snop  }
0x73: {  	v5 =	vadd.s32 v5, v6;
	v0 =	vshll.u32 v0, $0x3;
	v1 =	vshll.u32 v1, $0x2  }
0x74: {  	v5 =	vshll.u32 v5, $0x4;
	v0 =	vadd.s32 v1, v0;
	v63 =	vshll.u32 v3, $0x1  }
0x75: {  	v0 =	vadd.s32 v0, v5;
	v1 =	vadd.s32 v63, v4  }
0x76: {  	v0 =	vadd.s32 v0, v1  }
0x77: {  	v0 =	vshll.u32 v0, $0x1  }
0x78: {  	v0 =	vadd.s32 v2, v0  }
0x79: {  	[tilespmem:s21+$0xFFFFFFF0] =	vst v0  }
0x7a: {  	[tilespmem:s12], [sflag:$0x1] =	stream.indirect.gather [hbm4b:s1+s10], $0x1, s11, s10, $0xb8;
	[tilespmem:$0x3400] =	vst v63  }
0x7b: {  	_ = 	snop  }
0x7c: {  	[tilespmem:s14], [sflag:$0x1] =	stream.indirect.gather [hbm4b:s1+s10], $0x1, s13, s10, $0xb8;
	[tilespmem:$0x3400] =	vst v63  }
0x7d: {  	_ = 	snop  }
0x7e: {  	[tilespmem:s16], [sflag:$0x1] =	stream.indirect.gather [hbm4b:s1+s10], $0x1, s15, s10, $0xb8;
	[tilespmem:$0x3400] =	vst v63  }
0x7f: {  	_ = 	snop  }
0x80: {  	[tilespmem:s18], [sflag:$0x1] =	stream.indirect.gather [hbm4b:s1+s10], $0x1, s17, s10, $0xb8;
	[tilespmem:$0x3400] =	vst v63  }
0x81: {  	_ =	swait.ge [sflag:s19], $0x80  }
0x82: {  	[sflag:s19] =	ssyncset.done $0x0  }
0x83: {  	[sflag:s19] =	ssyncadd.s32 $0xFFFFFF80  }
0x84: {  	_ =	swait.ge [sflag:s19], $0x80  }
0x85: {  	[sflag:s19] =	ssyncset.done $0x0  }
0x86: {  	[sflag:s19] =	ssyncadd.s32 $0xFFFFFF80  }
0x87: {  	_ =	swait.ge [sflag:s19], $0x80  }
0x88: {  	[sflag:s19] =	ssyncset.done $0x0  }
0x89: {  	[sflag:s19] =	ssyncadd.s32 $0xFFFFFF80  }
0x8a: {  	s20 =	sadd.s32 $0x1, s20;
	_ =	swait.ge [sflag:s19], $0x80  }
0x8b: {  	p0 =	sne.s32 s20, s6;
	[sflag:s19] =	ssyncset.done $0x0  }
.Ltmp1:
0x8c: {  	[sflag:s19] =	ssyncadd.s32 $0xFFFFFF80;
	(pc) =	sbr.rel @p0 .LBB2_1-.Ltmp1, $4  }
0x8d: {  	[hbm4b:s5+s3] =	stream.linear.scatter [tilespmem:s12], [sflag:$0x2], $0x200, $0x38;
	[tilespmem:$0x3400] =	vst v63  }
0x8e: {  	_ =	swait.ge [sflag:s9], $0x200  }
0x8f: {  	[sflag:s9] =	ssyncset.done $0x0  }
0x90: {  	[sflag:s9] =	ssyncadd.s32 $0xFFFFFE00  }
0x91: {  	_ =	sfence.sel $0x180000  }
0x92: {  	[bflag:$0x0] =	sbarrier.arrive $0xFFFF  }
0x93: {  	p0 =	sne.s32 s2, $0x0;
	_ =	strace $0x90000047  }
0x94: {  	s0 =	sadd.s32 @!p0 $0x100000, s0;
	[bflag:$0x2] =	sbarrier.arrive $0xFFFF  }
0x95: {  	[sflag:s0] =	ssyncadd.tile.s32 @!p0 $0x1;
	_ =	shalt  }
.Lfunc_end2:
_tile_overlayer_lowered:
.L_overlay_start_2:
0x96: {  	(tag) =	ssettag $0x2  }
0x97: {  	s0 =	rddreg [dreg:$0x0];
	s2 =	stileid.u32  }
0x98: {  	s1 =	rddreg [dreg:$0x1];
	p0 =	sne.s32 s2, $0x0  }
0x99: {  	s3 =	rddreg [dreg:$0x2];
	[bflag:$0x3] =	sbarrier.arrive $0xFFFF;
	s2 =	simm.s32 @!p0 $0x1C02  }
0x9a: {  	[timem:s3], [sflag:s2] =	dma.local @!p0 [hbm:s0], s1  }
0x9b: {  	s0 =	simm.s32 @!p0 $0x2  }
0x9c: {  	_ =	swait.ge @!p0 [sflag:s0], s1  }
0x9d: {  	s1 =	ssub.s32 @!p0 $0x0, s1;
	[sflag:s0] =	ssyncset.done @!p0 $0x0  }
0x9e: {  	[sflag:s0] =	ssyncadd.s32 @!p0 s1  }
0x9f: {  	[bflag:$0x3] =	sbarrier.arrive $0xFFFF  }
0xa0: {  	_ =	shalt  }

</sc_bundles>
